<compile_context>
chip_gen: v7x
topology: tpu7x:2x2x1
jax: 0.10.2.dev20260603
libtpu: 0.0.44.dev20260713+nightly
codegen_flags: <defaults>
</compile_context>

<pallas_src>
import functools

import jax
import jax.numpy as jnp
from jax import lax
from jax.experimental import pallas as pl
from jax.experimental.pallas import tpu as pltpu
from jax.experimental.pallas import tpu_sc as plsc

EMBED_DIM = 64
N_ACTION = 2
N_CORES = 2
N_SUBCORES = 16
NW = N_CORES * N_SUBCORES
LANES = 16
ROW = 128
RBLK = 80
CHUNK = 128


def _proj_body(w_ref, b_ref, x_ref, o0_ref, o1_ref):
    y = lax.dot_general(
        w_ref[...], x_ref[...],
        (((1,), (0,)), ((), ())),
        preferred_element_type=jnp.float32,
        precision=lax.Precision.HIGHEST,
    ) + b_ref[...]
    o0_ref[...] = y[0:1, :].reshape(RBLK, ROW)
    o1_ref[...] = y[1:2, :].reshape(RBLK, ROW)


@functools.lru_cache(maxsize=None)
def _make_proj(n_rows: int):
    n_prows = (n_rows + ROW - 1) // ROW
    grid = (n_prows + RBLK - 1) // RBLK
    cblk = RBLK * ROW
    return pl.pallas_call(
        _proj_body,
        grid=(grid,),
        in_specs=[
            pl.BlockSpec((N_ACTION, EMBED_DIM), lambda i: (0, 0)),
            pl.BlockSpec((N_ACTION, 1), lambda i: (0, 0)),
            pl.BlockSpec((EMBED_DIM, cblk), lambda i: (0, i)),
        ],
        out_specs=[
            pl.BlockSpec((RBLK, ROW), lambda i: (i, 0)),
            pl.BlockSpec((RBLK, ROW), lambda i: (i, 0)),
        ],
        out_shape=[
            jax.ShapeDtypeStruct((n_prows, ROW), jnp.float32),
            jax.ShapeDtypeStruct((n_prows, ROW), jnp.float32),
        ],
    )


@functools.lru_cache(maxsize=None)
def _make_lookup(batch: int, n_prows: int):
    assert batch % (CHUNK * NW) == 0
    b_per_w = batch // NW
    n_chunks = b_per_w // CHUNK
    mesh = plsc.VectorSubcoreMesh(core_axis_name="c", subcore_axis_name="s")

    @functools.partial(
        pl.kernel,
        mesh=mesh,
        out_type=jax.ShapeDtypeStruct((N_ACTION, batch), jnp.float32),
        scratch_types=[
            pltpu.VMEM((b_per_w,), jnp.int32),
            pltpu.VMEM((b_per_w,), jnp.int32),
            pltpu.VMEM((CHUNK, ROW), jnp.float32),
            pltpu.VMEM((CHUNK, ROW), jnp.float32),
            pltpu.VMEM((CHUNK, ROW), jnp.float32),
            pltpu.VMEM((CHUNK, ROW), jnp.float32),
            pltpu.VMEM((b_per_w,), jnp.float32),
            pltpu.VMEM((b_per_w,), jnp.float32),
            pltpu.SemaphoreType.DMA,
            pltpu.SemaphoreType.DMA,
        ],
        compiler_params=pltpu.CompilerParams(
            use_tc_tiling_on_sc=True, needs_layout_passes=False
        ),
    )
    def lookup(idx_hbm, y0_hbm, y1_hbm, out_hbm,
               idx_v, row_v, ga0_v, ga1_v, gb0_v, gb1_v,
               out0_v, out1_v, sem_a, sem_b):
        wid = lax.axis_index("s") * N_CORES + lax.axis_index("c")
        base = wid * b_per_w
        pltpu.sync_copy(idx_hbm.at[pl.ds(base, b_per_w)], idx_v)

        def split_body(k, _):
            v = idx_v[pl.ds(k * LANES, LANES)]
            row_v[pl.ds(k * LANES, LANES)] = v >> 7
            return 0

        lax.fori_loop(0, b_per_w // LANES, split_body, 0)
        lane_iota = lax.iota(jnp.int32, LANES)
        bufs = ((ga0_v, ga1_v, sem_a), (gb0_v, gb1_v, sem_b))

        def fire(c, g0, g1, sem):
            rows = row_v.at[pl.ds(c * CHUNK, CHUNK)]
            pltpu.async_copy(y0_hbm.at[rows], g0, sem)
            pltpu.async_copy(y1_hbm.at[rows], g1, sem)

        for b in range(2):
            fire(jnp.int32(b), *bufs[b])

        def outer(c2, _):
            for b in range(2):
                c = c2 * 2 + b
                g0, g1, sem = bufs[b]
                for g in (g0, g1):
                    pltpu.make_async_copy(
                        y0_hbm.at[pl.ds(0, CHUNK)], g, sem
                    ).wait()

                def blk_body(jb, _):
                    iv = idx_v[pl.ds(c * CHUNK + jb * LANES, LANES)]
                    slot = jb * LANES + lane_iota
                    col = iv & (ROW - 1)
                    v0 = plsc.load_gather(g0, [slot, col])
                    v1 = plsc.load_gather(g1, [slot, col])
                    out0_v[pl.ds(c * CHUNK + jb * LANES, LANES)] = v0
                    out1_v[pl.ds(c * CHUNK + jb * LANES, LANES)] = v1
                    return 0

                lax.fori_loop(0, CHUNK // LANES, blk_body, 0)

                @pl.when(c + 2 < n_chunks)
                def _():
                    fire(c + 2, g0, g1, sem)
            return 0

        lax.fori_loop(0, n_chunks // 2, outer, 0)
        pltpu.sync_copy(out0_v, out_hbm.at[0, pl.ds(base, b_per_w)])
        pltpu.sync_copy(out1_v, out_hbm.at[1, pl.ds(base, b_per_w)])

    return lookup


def kernel(user_idx, table, W, b):
    batch = user_idx.shape[0]
    n_rows = table.shape[0]
    n_prows = (n_rows + ROW - 1) // ROW
    table_t = table.T
    y0, y1 = _make_proj(n_rows)(W, b.reshape(N_ACTION, 1), table_t)
    out_t = _make_lookup(batch, n_prows)(user_idx.astype(jnp.int32), y0, y1)
    return out_t.T

# --- scband reference (transcript-rebuilt; emitter-appended) ---
"""Pipeline reference for scband-wide-model-52896817218222 (READ-ONLY COPY).

The authoritative reference and input builder live on the scoring server;
editing this copy changes nothing except your own understanding.
"""

import jax, jax.numpy as jnp
import numpy as np

EMBED_SIZE = 1000000
EMBED_DIM = 64
N_ACTION = 2
BATCH = 16384

def setup_inputs(seed: int = 0) -> dict:
    key = jax.random.key(seed)
    k_idx, k_tab, k_w, k_b = jax.random.split(key, 4)
    user_idx = jax.random.randint(k_idx, (BATCH,), 0, EMBED_SIZE, dtype=jnp.int64 if jax.config.read('jax_enable_x64') else jnp.int32)
    table = jax.random.normal(k_tab, (EMBED_SIZE, EMBED_DIM), dtype=jnp.float32)
    # nn.Linear default init: uniform(-1/sqrt(fan_in), 1/sqrt(fan_in))
    bound = 1.0 / np.sqrt(EMBED_DIM)
    W = jax.random.uniform(k_w, (N_ACTION, EMBED_DIM), dtype=jnp.float32, minval=-bound, maxval=bound)
    b = jax.random.uniform(k_b, (N_ACTION,), dtype=jnp.float32, minval=-bound, maxval=bound)
    return {"user_idx": user_idx, "table": table, "W": W, "b": b}

def reference(user_idx, table, W, b):
    # x = self.embedding(user_idx)
    x = jnp.take(table, user_idx, axis=0)
    # x = self.lr(x)
    x = x @ W.T + b
    # x.squeeze(axis=0): no-op since batch dim != 1 (torch squeeze semantics)
    return x

if __name__ == "__main__":
    import jax
    _d = setup_inputs()
    print(jax.jit(kernel)(*tuple(_d.values())))

</pallas_src>

<mosaic_0001>
#map = affine_map<(d0, d1) -> (0)>
#map1 = affine_map<(d0, d1) -> (0, 0)>
module attributes {stable_mosaic.version = 14 : i64} {
  func.func @lookup(%arg0: i32, %arg1: i32, %arg2: memref<16384xi32, #tpu.memory_space<hbm>>, %arg3: memref<7813x128xf32, #tpu.memory_space<hbm>>, %arg4: memref<7813x128xf32, #tpu.memory_space<hbm>>, %arg5: memref<2x16384xf32, #tpu.memory_space<hbm>>, %arg6: memref<512xi32, #tpu.memory_space<vmem>>, %arg7: memref<512xi32, #tpu.memory_space<vmem>>, %arg8: memref<128x128xf32, #tpu.memory_space<vmem>>, %arg9: memref<128x128xf32, #tpu.memory_space<vmem>>, %arg10: memref<128x128xf32, #tpu.memory_space<vmem>>, %arg11: memref<128x128xf32, #tpu.memory_space<vmem>>, %arg12: memref<512xf32, #tpu.memory_space<vmem>>, %arg13: memref<512xf32, #tpu.memory_space<vmem>>, %arg14: memref<!tpu.dma_semaphore, #tpu.memory_space<semaphore_mem>>, %arg15: memref<!tpu.dma_semaphore, #tpu.memory_space<semaphore_mem>>) attributes {dimension_semantics = [#tpu.dimension_semantics<core_parallel>, #tpu.dimension_semantics<subcore_parallel>], iteration_bounds = array<i64: 2, 16>, scalar_prefetch = 0 : i64, scratch_operands = 10 : i64, tpu.core_type = #tpu.core_type<sc_vector_subcore>, window_params = [{transform_indices = #map}, {transform_indices = #map1}, {transform_indices = #map1}, {transform_indices = #map1}]} {
    %mul3A = arith.constant 2 : i32
    %mul3A_0 = arith.muli %arg1, %mul3A : i32
    %add3A = arith.addi %mul3A_0, %arg0 : i32
    %mul3A_1 = arith.constant 512 : i32
    %mul3A_2 = arith.muli %add3A, %mul3A_1 : i32
    "tpu.region"() ({
      %run_scoped3A_38 = tpu.sem_alloc : memref<!tpu.dma_semaphore, #tpu.memory_space<semaphore_mem>>
      %dma_start3A_39 = tpu.memref_slice %arg2[%mul3A_2] : memref<16384xi32, #tpu.memory_space<hbm>> -> memref<512xi32, #tpu.memory_space<hbm>>
      %dma_start3A_40 = tpu.memref_slice %arg2[%mul3A_2] : memref<16384xi32, #tpu.memory_space<hbm>> -> memref<512xi32, #tpu.memory_space<hbm>>
      tpu.enqueue_dma source(%dma_start3A_40 : memref<512xi32, #tpu.memory_space<hbm>>) target(%arg6 : memref<512xi32, #tpu.memory_space<vmem>>) target_semaphore(%run_scoped3A_38 : memref<!tpu.dma_semaphore, #tpu.memory_space<semaphore_mem>>)
      %dma_wait3A = tpu.memref_slice %arg2[%mul3A_2] : memref<16384xi32, #tpu.memory_space<hbm>> -> memref<512xi32, #tpu.memory_space<hbm>>
      %dma_wait3A_41 = tpu.memref_slice %arg2[%mul3A_2] : memref<16384xi32, #tpu.memory_space<hbm>> -> memref<512xi32, #tpu.memory_space<hbm>>
      tpu.wait_dma2 semaphore(%run_scoped3A_38 : memref<!tpu.dma_semaphore, #tpu.memory_space<semaphore_mem>>) src(%dma_wait3A_41 : memref<512xi32, #tpu.memory_space<hbm>>) dst(%arg6 : memref<512xi32, #tpu.memory_space<vmem>>)
      tpu.yield
    }) : () -> ()
    %scan3A = arith.constant 0 : i32
    %scan3A_3 = arith.constant 0 : i32
    %scan3A_4 = arith.constant 32 : i32
    %scan3A_5 = arith.addi %scan3A_3, %scan3A_4 : i32
    %scan3A_6 = arith.constant 1 : i32
    %scan3A_7 = scf.for %scan3A_38 = %scan3A_3 to %scan3A_5 step %scan3A_6 iter_args(%scan3A_39 = %scan3A) -> (i32)  : i32 {
      %mul3A_40 = arith.constant 16 : i32
      %mul3A_41 = arith.muli %scan3A_38, %mul3A_40 : i32
      %get3A = arith.index_cast %mul3A_41 : i32 to index
      %get3A_42 = tpu.vector_load %arg6[%get3A] {strides = array<i32>} : memref<512xi32, #tpu.memory_space<vmem>>, vector<16xi32>,
      %shift_right_arithmetic3A = arith.constant 7 : i32
      %shift_right_arithmetic3A_43 = vector.broadcast %shift_right_arithmetic3A : i32 to vector<16xi32>
      %shift_right_arithmetic3A_44 = arith.shrsi %get3A_42, %shift_right_arithmetic3A_43 : vector<16xi32>
      %mul3A_45 = arith.constant 16 : i32
      %mul3A_46 = arith.muli %scan3A_38, %mul3A_45 : i32
      %swap3A = arith.index_cast %mul3A_46 : i32 to index
      %swap3A_47 = tpu.vector_load %arg7[%swap3A] {strides = array<i32>} : memref<512xi32, #tpu.memory_space<vmem>>, vector<16xi32>,
      tpu.vector_store %arg7[%swap3A], %shift_right_arithmetic3A_44 {strides = array<i32>} : memref<512xi32, #tpu.memory_space<vmem>>, vector<16xi32>,
      %scan3A_48 = arith.constant 0 : i32
      scf.yield %scan3A_48 : i32
    }
    %scan3A_8 = arith.constant 32 : i32
    %iota3A = tpu.iota {dimensions = array<i32: 0>} : vector<16xi32>
    %mul3A_9 = arith.constant 0 : i32
    %mul3A_10 = arith.constant 128 : i32
    %mul3A_11 = arith.muli %mul3A_9, %mul3A_10 : i32
    %dma_start3A = tpu.memref_slice %arg7[%mul3A_11] : memref<512xi32, #tpu.memory_space<vmem>> -> memref<128xi32, #tpu.memory_space<vmem>>
    %dma_start3A_12 = arith.constant 0 : i32
    %dma_start3A_13 = arith.constant 0 : i32
    %dma_start3A_14 = tpu.memref_slice %arg3[%dma_start3A_12, %dma_start3A_13] : memref<7813x128xf32, #tpu.memory_space<hbm>> -> memref<7813x128xf32, #tpu.memory_space<hbm>>
    tpu.enqueue_indirect_dma source(%dma_start3A_14 : memref<7813x128xf32, #tpu.memory_space<hbm>>) target(%arg8 : memref<128x128xf32, #tpu.memory_space<vmem>>) offsets(%dma_start3A : memref<128xi32, #tpu.memory_space<vmem>>) semaphore(%arg14 : memref<!tpu.dma_semaphore, #tpu.memory_space<semaphore_mem>>)
    %dma_start3A_15 = tpu.memref_slice %arg7[%mul3A_11] : memref<512xi32, #tpu.memory_space<vmem>> -> memref<128xi32, #tpu.memory_space<vmem>>
    %dma_start3A_16 = arith.constant 0 : i32
    %dma_start3A_17 = arith.constant 0 : i32
    %dma_start3A_18 = tpu.memref_slice %arg4[%dma_start3A_16, %dma_start3A_17] : memref<7813x128xf32, #tpu.memory_space<hbm>> -> memref<7813x128xf32, #tpu.memory_space<hbm>>
    tpu.enqueue_indirect_dma source(%dma_start3A_18 : memref<7813x128xf32, #tpu.memory_space<hbm>>) target(%arg9 : memref<128x128xf32, #tpu.memory_space<vmem>>) offsets(%dma_start3A_15 : memref<128xi32, #tpu.memory_space<vmem>>) semaphore(%arg14 : memref<!tpu.dma_semaphore, #tpu.memory_space<semaphore_mem>>)
    %mul3A_19 = arith.constant 1 : i32
    %mul3A_20 = arith.constant 128 : i32
    %mul3A_21 = arith.muli %mul3A_19, %mul3A_20 : i32
    %dma_start3A_22 = tpu.memref_slice %arg7[%mul3A_21] : memref<512xi32, #tpu.memory_space<vmem>> -> memref<128xi32, #tpu.memory_space<vmem>>
    %dma_start3A_23 = arith.constant 0 : i32
    %dma_start3A_24 = arith.constant 0 : i32
    %dma_start3A_25 = tpu.memref_slice %arg3[%dma_start3A_23, %dma_start3A_24] : memref<7813x128xf32, #tpu.memory_space<hbm>> -> memref<7813x128xf32, #tpu.memory_space<hbm>>
    tpu.enqueue_indirect_dma source(%dma_start3A_25 : memref<7813x128xf32, #tpu.memory_space<hbm>>) target(%arg10 : memref<128x128xf32, #tpu.memory_space<vmem>>) offsets(%dma_start3A_22 : memref<128xi32, #tpu.memory_space<vmem>>) semaphore(%arg15 : memref<!tpu.dma_semaphore, #tpu.memory_space<semaphore_mem>>)
    %dma_start3A_26 = tpu.memref_slice %arg7[%mul3A_21] : memref<512xi32, #tpu.memory_space<vmem>> -> memref<128xi32, #tpu.memory_space<vmem>>
    %dma_start3A_27 = arith.constant 0 : i32
    %dma_start3A_28 = arith.constant 0 : i32
    %dma_start3A_29 = tpu.memref_slice %arg4[%dma_start3A_27, %dma_start3A_28] : memref<7813x128xf32, #tpu.memory_space<hbm>> -> memref<7813x128xf32, #tpu.memory_space<hbm>>
    tpu.enqueue_indirect_dma source(%dma_start3A_29 : memref<7813x128xf32, #tpu.memory_space<hbm>>) target(%arg11 : memref<128x128xf32, #tpu.memory_space<vmem>>) offsets(%dma_start3A_26 : memref<128xi32, #tpu.memory_space<vmem>>) semaphore(%arg15 : memref<!tpu.dma_semaphore, #tpu.memory_space<semaphore_mem>>)
    %scan3A_30 = arith.constant 0 : i32
    %scan3A_31 = arith.constant 0 : i32
    %scan3A_32 = arith.constant 2 : i32
    %scan3A_33 = arith.addi %scan3A_31, %scan3A_32 : i32
    %scan3A_34 = arith.constant 1 : i32
    %scan3A_35 = scf.for %scan3A_38 = %scan3A_31 to %scan3A_33 step %scan3A_34 iter_args(%scan3A_39 = %scan3A_30) -> (i32)  : i32 {
      %mul3A_40 = arith.constant 2 : i32
      %mul3A_41 = arith.muli %scan3A_38, %mul3A_40 : i32
      %add3A_42 = arith.constant 0 : i32
      %add3A_43 = arith.addi %mul3A_41, %add3A_42 : i32
      %dma_wait3A = arith.constant 0 : i32
      %dma_wait3A_44 = arith.constant 0 : i32
      %dma_wait3A_45 = tpu.memref_slice %arg3[%dma_wait3A, %dma_wait3A_44] : memref<7813x128xf32, #tpu.memory_space<hbm>> -> memref<128x128xf32, #tpu.memory_space<hbm>>
      %dma_wait3A_46 = arith.constant 0 : i32
      %dma_wait3A_47 = arith.constant 0 : i32
      %dma_wait3A_48 = tpu.memref_slice %arg3[%dma_wait3A_46, %dma_wait3A_47] : memref<7813x128xf32, #tpu.memory_space<hbm>> -> memref<128x128xf32, #tpu.memory_space<hbm>>
      tpu.wait_dma2 semaphore(%arg14 : memref<!tpu.dma_semaphore, #tpu.memory_space<semaphore_mem>>) src(%dma_wait3A_48 : memref<128x128xf32, #tpu.memory_space<hbm>>) dst(%arg8 : memref<128x128xf32, #tpu.memory_space<vmem>>)
      %dma_wait3A_49 = arith.constant 0 : i32
      %dma_wait3A_50 = arith.constant 0 : i32
      %dma_wait3A_51 = tpu.memref_slice %arg3[%dma_wait3A_49, %dma_wait3A_50] : memref<7813x128xf32, #tpu.memory_space<hbm>> -> memref<128x128xf32, #tpu.memory_space<hbm>>
      %dma_wait3A_52 = arith.constant 0 : i32
      %dma_wait3A_53 = arith.constant 0 : i32
      %dma_wait3A_54 = tpu.memref_slice %arg3[%dma_wait3A_52, %dma_wait3A_53] : memref<7813x128xf32, #tpu.memory_space<hbm>> -> memref<128x128xf32, #tpu.memory_space<hbm>>
      tpu.wait_dma2 semaphore(%arg14 : memref<!tpu.dma_semaphore, #tpu.memory_space<semaphore_mem>>) src(%dma_wait3A_54 : memref<128x128xf32, #tpu.memory_space<hbm>>) dst(%arg9 : memref<128x128xf32, #tpu.memory_space<vmem>>)
      %scan3A_55 = arith.constant 0 : i32
      %scan3A_56 = arith.constant 0 : i32
      %scan3A_57 = arith.constant 8 : i32
      %scan3A_58 = arith.addi %scan3A_56, %scan3A_57 : i32
      %scan3A_59 = arith.constant 1 : i32
      %scan3A_60 = scf.for %scan3A_97 = %scan3A_56 to %scan3A_58 step %scan3A_59 iter_args(%scan3A_98 = %scan3A_55) -> (i32)  : i32 {
        %mul3A_99 = arith.constant 128 : i32
        %mul3A_100 = arith.muli %add3A_43, %mul3A_99 : i32
        %mul3A_101 = arith.constant 16 : i32
        %mul3A_102 = arith.muli %scan3A_97, %mul3A_101 : i32
        %add3A_103 = arith.addi %mul3A_100, %mul3A_102 : i32
        %get3A = arith.index_cast %add3A_103 : i32 to index
        %get3A_104 = tpu.vector_load %arg6[%get3A] {strides = array<i32>} : memref<512xi32, #tpu.memory_space<vmem>>, vector<16xi32>,
        %mul3A_105 = arith.constant 16 : i32
        %mul3A_106 = arith.muli %scan3A_97, %mul3A_105 : i32
        %add3A_107 = vector.broadcast %mul3A_106 : i32 to vector<16xi32>
        %add3A_108 = arith.addi %add3A_107, %iota3A : vector<16xi32>
        %and3A = arith.constant 127 : i32
        %and3A_109 = vector.broadcast %and3A : i32 to vector<16xi32>
        %and3A_110 = arith.andi %get3A_104, %and3A_109 : vector<16xi32>
        %gather3A = tpu.vector_load_idx %arg8[%add3A_108, %and3A_110] : memref<128x128xf32, #tpu.memory_space<vmem>>[vector<16xi32>, vector<16xi32>], vector<16xf32>,
        %gather3A_111 = tpu.vector_load_idx %arg9[%add3A_108, %and3A_110] : memref<128x128xf32, #tpu.memory_space<vmem>>[vector<16xi32>, vector<16xi32>], vector<16xf32>,
        %mul3A_112 = arith.constant 128 : i32
        %mul3A_113 = arith.muli %add3A_43, %mul3A_112 : i32
        %mul3A_114 = arith.constant 16 : i32
        %mul3A_115 = arith.muli %scan3A_97, %mul3A_114 : i32
        %add3A_116 = arith.addi %mul3A_113, %mul3A_115 : i32
        %swap3A = arith.index_cast %add3A_116 : i32 to index
        %swap3A_117 = tpu.vector_load %arg12[%swap3A] {strides = array<i32>} : memref<512xf32, #tpu.memory_space<vmem>>, vector<16xf32>,
        tpu.vector_store %arg12[%swap3A], %gather3A {strides = array<i32>} : memref<512xf32, #tpu.memory_space<vmem>>, vector<16xf32>,
        %mul3A_118 = arith.constant 128 : i32
        %mul3A_119 = arith.muli %add3A_43, %mul3A_118 : i32
        %mul3A_120 = arith.constant 16 : i32
        %mul3A_121 = arith.muli %scan3A_97, %mul3A_120 : i32
        %add3A_122 = arith.addi %mul3A_119, %mul3A_121 : i32
        %swap3A_123 = arith.index_cast %add3A_122 : i32 to index
        %swap3A_124 = tpu.vector_load %arg13[%swap3A_123] {strides = array<i32>} : memref<512xf32, #tpu.memory_space<vmem>>, vector<16xf32>,
        tpu.vector_store %arg13[%swap3A_123], %gather3A_111 {strides = array<i32>} : memref<512xf32, #tpu.memory_space<vmem>>, vector<16xf32>,
        %scan3A_125 = arith.constant 0 : i32
        scf.yield %scan3A_125 : i32
      }
      %scan3A_61 = arith.constant 8 : i32
      %add3A_62 = arith.constant 2 : i32
      %add3A_63 = arith.addi %add3A_43, %add3A_62 : i32
      %lt3A = arith.constant 4 : i32
      %lt3A_64 = arith.cmpi slt, %add3A_63, %lt3A : i32
      %convert_element_type3A = arith.extui %lt3A_64 : i1 to i32
      %cond3A = arith.constant 0 : i32
      %cond3A_65 = arith.cmpi ne, %convert_element_type3A, %cond3A : i32
      scf.if %cond3A_65 {
        %add3A_97 = arith.constant 2 : i32
        %add3A_98 = arith.addi %add3A_43, %add3A_97 : i32
        %mul3A_99 = arith.constant 128 : i32
        %mul3A_100 = arith.muli %add3A_98, %mul3A_99 : i32
        %dma_start3A_101 = tpu.memref_slice %arg7[%mul3A_100] : memref<512xi32, #tpu.memory_space<vmem>> -> memref<128xi32, #tpu.memory_space<vmem>>
        %dma_start3A_102 = arith.constant 0 : i32
        %dma_start3A_103 = arith.constant 0 : i32
        %dma_start3A_104 = tpu.memref_slice %arg3[%dma_start3A_102, %dma_start3A_103] : memref<7813x128xf32, #tpu.memory_space<hbm>> -> memref<7813x128xf32, #tpu.memory_space<hbm>>
        tpu.enqueue_indirect_dma source(%dma_start3A_104 : memref<7813x128xf32, #tpu.memory_space<hbm>>) target(%arg8 : memref<128x128xf32, #tpu.memory_space<vmem>>) offsets(%dma_start3A_101 : memref<128xi32, #tpu.memory_space<vmem>>) semaphore(%arg14 : memref<!tpu.dma_semaphore, #tpu.memory_space<semaphore_mem>>)
        %dma_start3A_105 = tpu.memref_slice %arg7[%mul3A_100] : memref<512xi32, #tpu.memory_space<vmem>> -> memref<128xi32, #tpu.memory_space<vmem>>
        %dma_start3A_106 = arith.constant 0 : i32
        %dma_start3A_107 = arith.constant 0 : i32
        %dma_start3A_108 = tpu.memref_slice %arg4[%dma_start3A_106, %dma_start3A_107] : memref<7813x128xf32, #tpu.memory_space<hbm>> -> memref<7813x128xf32, #tpu.memory_space<hbm>>
        tpu.enqueue_indirect_dma source(%dma_start3A_108 : memref<7813x128xf32, #tpu.memory_space<hbm>>) target(%arg9 : memref<128x128xf32, #tpu.memory_space<vmem>>) offsets(%dma_start3A_105 : memref<128xi32, #tpu.memory_space<vmem>>) semaphore(%arg14 : memref<!tpu.dma_semaphore, #tpu.memory_space<semaphore_mem>>)
      } else {
      }
      %mul3A_66 = arith.constant 2 : i32
      %mul3A_67 = arith.muli %scan3A_38, %mul3A_66 : i32
      %add3A_68 = arith.constant 1 : i32
      %add3A_69 = arith.addi %mul3A_67, %add3A_68 : i32
      %dma_wait3A_70 = arith.constant 0 : i32
      %dma_wait3A_71 = arith.constant 0 : i32
      %dma_wait3A_72 = tpu.memref_slice %arg3[%dma_wait3A_70, %dma_wait3A_71] : memref<7813x128xf32, #tpu.memory_space<hbm>> -> memref<128x128xf32, #tpu.memory_space<hbm>>
      %dma_wait3A_73 = arith.constant 0 : i32
      %dma_wait3A_74 = arith.constant 0 : i32
      %dma_wait3A_75 = tpu.memref_slice %arg3[%dma_wait3A_73, %dma_wait3A_74] : memref<7813x128xf32, #tpu.memory_space<hbm>> -> memref<128x128xf32, #tpu.memory_space<hbm>>
      tpu.wait_dma2 semaphore(%arg15 : memref<!tpu.dma_semaphore, #tpu.memory_space<semaphore_mem>>) src(%dma_wait3A_75 : memref<128x128xf32, #tpu.memory_space<hbm>>) dst(%arg10 : memref<128x128xf32, #tpu.memory_space<vmem>>)
      %dma_wait3A_76 = arith.constant 0 : i32
      %dma_wait3A_77 = arith.constant 0 : i32
      %dma_wait3A_78 = tpu.memref_slice %arg3[%dma_wait3A_76, %dma_wait3A_77] : memref<7813x128xf32, #tpu.memory_space<hbm>> -> memref<128x128xf32, #tpu.memory_space<hbm>>
      %dma_wait3A_79 = arith.constant 0 : i32
      %dma_wait3A_80 = arith.constant 0 : i32
      %dma_wait3A_81 = tpu.memref_slice %arg3[%dma_wait3A_79, %dma_wait3A_80] : memref<7813x128xf32, #tpu.memory_space<hbm>> -> memref<128x128xf32, #tpu.memory_space<hbm>>
      tpu.wait_dma2 semaphore(%arg15 : memref<!tpu.dma_semaphore, #tpu.memory_space<semaphore_mem>>) src(%dma_wait3A_81 : memref<128x128xf32, #tpu.memory_space<hbm>>) dst(%arg11 : memref<128x128xf32, #tpu.memory_space<vmem>>)
      %scan3A_82 = arith.constant 0 : i32
      %scan3A_83 = arith.constant 0 : i32
      %scan3A_84 = arith.constant 8 : i32
      %scan3A_85 = arith.addi %scan3A_83, %scan3A_84 : i32
      %scan3A_86 = arith.constant 1 : i32
      %scan3A_87 = scf.for %scan3A_97 = %scan3A_83 to %scan3A_85 step %scan3A_86 iter_args(%scan3A_98 = %scan3A_82) -> (i32)  : i32 {
        %mul3A_99 = arith.constant 128 : i32
        %mul3A_100 = arith.muli %add3A_69, %mul3A_99 : i32
        %mul3A_101 = arith.constant 16 : i32
        %mul3A_102 = arith.muli %scan3A_97, %mul3A_101 : i32
        %add3A_103 = arith.addi %mul3A_100, %mul3A_102 : i32
        %get3A = arith.index_cast %add3A_103 : i32 to index
        %get3A_104 = tpu.vector_load %arg6[%get3A] {strides = array<i32>} : memref<512xi32, #tpu.memory_space<vmem>>, vector<16xi32>,
        %mul3A_105 = arith.constant 16 : i32
        %mul3A_106 = arith.muli %scan3A_97, %mul3A_105 : i32
        %add3A_107 = vector.broadcast %mul3A_106 : i32 to vector<16xi32>
        %add3A_108 = arith.addi %add3A_107, %iota3A : vector<16xi32>
        %and3A = arith.constant 127 : i32
        %and3A_109 = vector.broadcast %and3A : i32 to vector<16xi32>
        %and3A_110 = arith.andi %get3A_104, %and3A_109 : vector<16xi32>
        %gather3A = tpu.vector_load_idx %arg10[%add3A_108, %and3A_110] : memref<128x128xf32, #tpu.memory_space<vmem>>[vector<16xi32>, vector<16xi32>], vector<16xf32>,
        %gather3A_111 = tpu.vector_load_idx %arg11[%add3A_108, %and3A_110] : memref<128x128xf32, #tpu.memory_space<vmem>>[vector<16xi32>, vector<16xi32>], vector<16xf32>,
        %mul3A_112 = arith.constant 128 : i32
        %mul3A_113 = arith.muli %add3A_69, %mul3A_112 : i32
        %mul3A_114 = arith.constant 16 : i32
        %mul3A_115 = arith.muli %scan3A_97, %mul3A_114 : i32
        %add3A_116 = arith.addi %mul3A_113, %mul3A_115 : i32
        %swap3A = arith.index_cast %add3A_116 : i32 to index
        %swap3A_117 = tpu.vector_load %arg12[%swap3A] {strides = array<i32>} : memref<512xf32, #tpu.memory_space<vmem>>, vector<16xf32>,
        tpu.vector_store %arg12[%swap3A], %gather3A {strides = array<i32>} : memref<512xf32, #tpu.memory_space<vmem>>, vector<16xf32>,
        %mul3A_118 = arith.constant 128 : i32
        %mul3A_119 = arith.muli %add3A_69, %mul3A_118 : i32
        %mul3A_120 = arith.constant 16 : i32
        %mul3A_121 = arith.muli %scan3A_97, %mul3A_120 : i32
        %add3A_122 = arith.addi %mul3A_119, %mul3A_121 : i32
        %swap3A_123 = arith.index_cast %add3A_122 : i32 to index
        %swap3A_124 = tpu.vector_load %arg13[%swap3A_123] {strides = array<i32>} : memref<512xf32, #tpu.memory_space<vmem>>, vector<16xf32>,
        tpu.vector_store %arg13[%swap3A_123], %gather3A_111 {strides = array<i32>} : memref<512xf32, #tpu.memory_space<vmem>>, vector<16xf32>,
        %scan3A_125 = arith.constant 0 : i32
        scf.yield %scan3A_125 : i32
      }
      %scan3A_88 = arith.constant 8 : i32
      %add3A_89 = arith.constant 2 : i32
      %add3A_90 = arith.addi %add3A_69, %add3A_89 : i32
      %lt3A_91 = arith.constant 4 : i32
      %lt3A_92 = arith.cmpi slt, %add3A_90, %lt3A_91 : i32
      %convert_element_type3A_93 = arith.extui %lt3A_92 : i1 to i32
      %cond3A_94 = arith.constant 0 : i32
      %cond3A_95 = arith.cmpi ne, %convert_element_type3A_93, %cond3A_94 : i32
      scf.if %cond3A_95 {
        %add3A_97 = arith.constant 2 : i32
        %add3A_98 = arith.addi %add3A_69, %add3A_97 : i32
        %mul3A_99 = arith.constant 128 : i32
        %mul3A_100 = arith.muli %add3A_98, %mul3A_99 : i32
        %dma_start3A_101 = tpu.memref_slice %arg7[%mul3A_100] : memref<512xi32, #tpu.memory_space<vmem>> -> memref<128xi32, #tpu.memory_space<vmem>>
        %dma_start3A_102 = arith.constant 0 : i32
        %dma_start3A_103 = arith.constant 0 : i32
        %dma_start3A_104 = tpu.memref_slice %arg3[%dma_start3A_102, %dma_start3A_103] : memref<7813x128xf32, #tpu.memory_space<hbm>> -> memref<7813x128xf32, #tpu.memory_space<hbm>>
        tpu.enqueue_indirect_dma source(%dma_start3A_104 : memref<7813x128xf32, #tpu.memory_space<hbm>>) target(%arg10 : memref<128x128xf32, #tpu.memory_space<vmem>>) offsets(%dma_start3A_101 : memref<128xi32, #tpu.memory_space<vmem>>) semaphore(%arg15 : memref<!tpu.dma_semaphore, #tpu.memory_space<semaphore_mem>>)
        %dma_start3A_105 = tpu.memref_slice %arg7[%mul3A_100] : memref<512xi32, #tpu.memory_space<vmem>> -> memref<128xi32, #tpu.memory_space<vmem>>
        %dma_start3A_106 = arith.constant 0 : i32
        %dma_start3A_107 = arith.constant 0 : i32
        %dma_start3A_108 = tpu.memref_slice %arg4[%dma_start3A_106, %dma_start3A_107] : memref<7813x128xf32, #tpu.memory_space<hbm>> -> memref<7813x128xf32, #tpu.memory_space<hbm>>
        tpu.enqueue_indirect_dma source(%dma_start3A_108 : memref<7813x128xf32, #tpu.memory_space<hbm>>) target(%arg11 : memref<128x128xf32, #tpu.memory_space<vmem>>) offsets(%dma_start3A_105 : memref<128xi32, #tpu.memory_space<vmem>>) semaphore(%arg15 : memref<!tpu.dma_semaphore, #tpu.memory_space<semaphore_mem>>)
      } else {
      }
      %scan3A_96 = arith.constant 0 : i32
      scf.yield %scan3A_96 : i32
    }
    %scan3A_36 = arith.constant 2 : i32
    %run_scoped3A = arith.constant 0 : i32
    "tpu.region"() ({
      %run_scoped3A_38 = tpu.sem_alloc : memref<!tpu.dma_semaphore, #tpu.memory_space<semaphore_mem>>
      %dma_start3A_39 = tpu.memref_slice %arg5[%run_scoped3A, %mul3A_2] : memref<2x16384xf32, #tpu.memory_space<hbm>> -> memref<1x512xf32, #tpu.memory_space<hbm>>
      %dma_start3A_40 = tpu.memref_squeeze %dma_start3A_39 : memref<1x512xf32, #tpu.memory_space<hbm>> -> memref<512xf32, #tpu.memory_space<hbm>>
      %dma_start3A_41 = tpu.memref_slice %arg5[%run_scoped3A, %mul3A_2] : memref<2x16384xf32, #tpu.memory_space<hbm>> -> memref<1x512xf32, #tpu.memory_space<hbm>>
      %dma_start3A_42 = tpu.memref_squeeze %dma_start3A_41 : memref<1x512xf32, #tpu.memory_space<hbm>> -> memref<512xf32, #tpu.memory_space<hbm>>
      tpu.enqueue_dma source(%arg12 : memref<512xf32, #tpu.memory_space<vmem>>) target(%dma_start3A_42 : memref<512xf32, #tpu.memory_space<hbm>>) target_semaphore(%run_scoped3A_38 : memref<!tpu.dma_semaphore, #tpu.memory_space<semaphore_mem>>)
      %dma_wait3A = tpu.memref_slice %arg5[%run_scoped3A, %mul3A_2] : memref<2x16384xf32, #tpu.memory_space<hbm>> -> memref<1x512xf32, #tpu.memory_space<hbm>>
      %dma_wait3A_43 = tpu.memref_squeeze %dma_wait3A : memref<1x512xf32, #tpu.memory_space<hbm>> -> memref<512xf32, #tpu.memory_space<hbm>>
      %dma_wait3A_44 = tpu.memref_slice %arg5[%run_scoped3A, %mul3A_2] : memref<2x16384xf32, #tpu.memory_space<hbm>> -> memref<1x512xf32, #tpu.memory_space<hbm>>
      %dma_wait3A_45 = tpu.memref_squeeze %dma_wait3A_44 : memref<1x512xf32, #tpu.memory_space<hbm>> -> memref<512xf32, #tpu.memory_space<hbm>>
      tpu.wait_dma2 semaphore(%run_scoped3A_38 : memref<!tpu.dma_semaphore, #tpu.memory_space<semaphore_mem>>) src(%arg12 : memref<512xf32, #tpu.memory_space<vmem>>) dst(%dma_wait3A_45 : memref<512xf32, #tpu.memory_space<hbm>>)
      tpu.yield
    }) : () -> ()
    %run_scoped3A_37 = arith.constant 1 : i32
    "tpu.region"() ({
      %run_scoped3A_38 = tpu.sem_alloc : memref<!tpu.dma_semaphore, #tpu.memory_space<semaphore_mem>>
      %dma_start3A_39 = tpu.memref_slice %arg5[%run_scoped3A_37, %mul3A_2] : memref<2x16384xf32, #tpu.memory_space<hbm>> -> memref<1x512xf32, #tpu.memory_space<hbm>>
      %dma_start3A_40 = tpu.memref_squeeze %dma_start3A_39 : memref<1x512xf32, #tpu.memory_space<hbm>> -> memref<512xf32, #tpu.memory_space<hbm>>
      %dma_start3A_41 = tpu.memref_slice %arg5[%run_scoped3A_37, %mul3A_2] : memref<2x16384xf32, #tpu.memory_space<hbm>> -> memref<1x512xf32, #tpu.memory_space<hbm>>
      %dma_start3A_42 = tpu.memref_squeeze %dma_start3A_41 : memref<1x512xf32, #tpu.memory_space<hbm>> -> memref<512xf32, #tpu.memory_space<hbm>>
      tpu.enqueue_dma source(%arg13 : memref<512xf32, #tpu.memory_space<vmem>>) target(%dma_start3A_42 : memref<512xf32, #tpu.memory_space<hbm>>) target_semaphore(%run_scoped3A_38 : memref<!tpu.dma_semaphore, #tpu.memory_space<semaphore_mem>>)
      %dma_wait3A = tpu.memref_slice %arg5[%run_scoped3A_37, %mul3A_2] : memref<2x16384xf32, #tpu.memory_space<hbm>> -> memref<1x512xf32, #tpu.memory_space<hbm>>
      %dma_wait3A_43 = tpu.memref_squeeze %dma_wait3A : memref<1x512xf32, #tpu.memory_space<hbm>> -> memref<512xf32, #tpu.memory_space<hbm>>
      %dma_wait3A_44 = tpu.memref_slice %arg5[%run_scoped3A_37, %mul3A_2] : memref<2x16384xf32, #tpu.memory_space<hbm>> -> memref<1x512xf32, #tpu.memory_space<hbm>>
      %dma_wait3A_45 = tpu.memref_squeeze %dma_wait3A_44 : memref<1x512xf32, #tpu.memory_space<hbm>> -> memref<512xf32, #tpu.memory_space<hbm>>
      tpu.wait_dma2 semaphore(%run_scoped3A_38 : memref<!tpu.dma_semaphore, #tpu.memory_space<semaphore_mem>>) src(%arg13 : memref<512xf32, #tpu.memory_space<vmem>>) dst(%dma_wait3A_45 : memref<512xf32, #tpu.memory_space<hbm>>)
      tpu.yield
    }) : () -> ()
    return
  }
}

module attributes {stable_mosaic.version = 14 : i64} {
  func.func @_proj_body(%arg0: i32, %arg1: memref<2x64xf32, #tpu.memory_space<vmem>>, %arg2: memref<2x1xf32, #tpu.memory_space<vmem>>, %arg3: memref<64x10240xf32, #tpu.memory_space<vmem>>, %arg4: memref<80x128xf32, #tpu.memory_space<vmem>>, %arg5: memref<80x128xf32, #tpu.memory_space<vmem>>) attributes {dimension_semantics = [#tpu.dimension_semantics<arbitrary>], iteration_bounds = array<i64: 98>, scalar_prefetch = 0 : i64, scratch_operands = 0 : i64, tpu.core_type = #tpu.core_type<tc>, window_params = [{pipeline_mode = #tpu.pipeline_mode<synchronous>, transform_indices = @transform_0, window_bounds = array<i64: 2, 64>}, {pipeline_mode = #tpu.pipeline_mode<synchronous>, transform_indices = @transform_1, window_bounds = array<i64: 2, 1>}, {transform_indices = @transform_2, window_bounds = array<i64: 64, 10240>}, {transform_indices = @transform_3, window_bounds = array<i64: 80, 128>}, {transform_indices = @transform_4, window_bounds = array<i64: 80, 128>}]} {
    %get3A = arith.constant 0 : index
    %get3A_0 = arith.constant 0 : index
    %get3A_1 = vector.load %arg1[%get3A, %get3A_0] : memref<2x64xf32, #tpu.memory_space<vmem>>, vector<2x64xf32>
    %get3A_2 = arith.constant 0 : index
    %get3A_3 = arith.constant 0 : index
    %get3A_4 = vector.load %arg3[%get3A_2, %get3A_3] : memref<64x10240xf32, #tpu.memory_space<vmem>>, vector<64x10240xf32>
    %dot_general3A = arith.constant dense<0.000000e+00> : vector<2x10240xf32>
    %dot_general3A_5 = tpu.matmul %get3A_1, %get3A_4, %dot_general3A {dimension_numbers = #tpu.dot_dimension_numbers<[1], [0], [0], [1], [0, 0, 1, 1], [], []>, precision = #tpu.contract_precision<fp32>, transpose_lhs_hint = false} : vector<2x64xf32>, vector<64x10240xf32>, vector<2x10240xf32> -> vector<2x10240xf32>
    %get3A_6 = arith.constant 0 : index
    %get3A_7 = arith.constant 0 : index
    %get3A_8 = vector.load %arg2[%get3A_6, %get3A_7] : memref<2x1xf32, #tpu.memory_space<vmem>>, vector<2x1xf32>
    %add3A = vector.broadcast %get3A_8 : vector<2x1xf32> to vector<2x10240xf32>
    %add3A_9 = arith.addf %dot_general3A_5, %add3A : vector<2x10240xf32>
    %slice3A = vector.extract_strided_slice %add3A_9 {offsets = [0, 0], sizes = [1, 10240], strides = [1, 1]} : vector<2x10240xf32> to vector<1x10240xf32>
    %reshape3A = vector.shape_cast %slice3A : vector<1x10240xf32> to vector<80x128xf32>
    %swap3A = arith.constant 0 : index
    %swap3A_10 = arith.constant 0 : index
    %swap3A_11 = vector.load %arg4[%swap3A, %swap3A_10] : memref<80x128xf32, #tpu.memory_space<vmem>>, vector<80x128xf32>
    tpu.vector_store %arg4[%swap3A, %swap3A_10], %reshape3A {strides = array<i32>} : memref<80x128xf32, #tpu.memory_space<vmem>>, vector<80x128xf32>,
    %slice3A_12 = vector.extract_strided_slice %add3A_9 {offsets = [1, 0], sizes = [1, 10240], strides = [1, 1]} : vector<2x10240xf32> to vector<1x10240xf32>
    %reshape3A_13 = vector.shape_cast %slice3A_12 : vector<1x10240xf32> to vector<80x128xf32>
    %swap3A_14 = arith.constant 0 : index
    %swap3A_15 = arith.constant 0 : index
    %swap3A_16 = vector.load %arg5[%swap3A_14, %swap3A_15] : memref<80x128xf32, #tpu.memory_space<vmem>>, vector<80x128xf32>
    tpu.vector_store %arg5[%swap3A_14, %swap3A_15], %reshape3A_13 {strides = array<i32>} : memref<80x128xf32, #tpu.memory_space<vmem>>, vector<80x128xf32>,
    return
  }
  func.func @transform_0(%arg0: i32) -> (i32, i32) {
    %c0_i32 = arith.constant 0 : i32
    %c0_i32_0 = arith.constant 0 : i32
    %c0_i32_1 = arith.constant 0 : i32
    return %c0_i32, %c0_i32_0 : i32, i32
  }
  func.func @transform_1(%arg0: i32) -> (i32, i32) {
    %c0_i32 = arith.constant 0 : i32
    %c0_i32_0 = arith.constant 0 : i32
    %c0_i32_1 = arith.constant 0 : i32
    return %c0_i32, %c0_i32_0 : i32, i32
  }
  func.func @transform_2(%arg0: i32) -> (i32, i32) {
    %c0_i32 = arith.constant 0 : i32
    %c0_i32_0 = arith.constant 0 : i32
    return %c0_i32, %arg0 : i32, i32
  }
  func.func @transform_3(%arg0: i32) -> (i32, i32) {
    %c0_i32 = arith.constant 0 : i32
    %c0_i32_0 = arith.constant 0 : i32
    return %arg0, %c0_i32 : i32, i32
  }
  func.func @transform_4(%arg0: i32) -> (i32, i32) {
    %c0_i32 = arith.constant 0 : i32
    %c0_i32_0 = arith.constant 0 : i32
    return %arg0, %c0_i32 : i32, i32
  }
}

</mosaic_0001>

<sc_bundles>
// kernel: kernel.4.cloned.1.call-start
scs
__scs_entry_jumppad:
0x0: {  	(pc) =	sbr.rel $0x88, $3  }
0x1: {  	(tag) =	ssettag $0x0;
	lr =	simm.s32 $0x1  }
0x2: {  	[smem:$0x3F9D] =	sst lr;
	_ =	strace $0xD0000000  }
0x3: {  	_ = 	snop  }
0x4: {  	_ = 	snop  }
0x5: {  	_ = 	snop  }
0x6: {  	_ = 	snop  }
0x7: {  	_ = 	snop  }
__scs_overlays_trampoline_lowered:
0x8: {  	[smem:$0x3FAC] =	sst s0  }
0x9: {  	[smem:$0x3FAD] =	sst s1  }
0xa: {  	[smem:$0x3FAE] =	sst s2  }
0xb: {  	[smem:$0x3FAF] =	sst s3  }
0xc: {  	[smem:$0x3FB0] =	sst s4  }
0xd: {  	[smem:$0x3FB1] =	sst s5  }
0xe: {  	[smem:$0x3FB2] =	sst s6  }
0xf: {  	[smem:$0x3FB3] =	sst s7  }
0x10: {  	[smem:$0x3FB4] =	sst s8  }
0x11: {  	[smem:$0x3FB5] =	sst s9;
	s0 =	simm.s32 @!p0 $0x0  }
0x12: {  	s1 =	sld [smem:$0x3F9B];
	s0 =	simm.s32 @p0 $0x1  }
0x13: {  	[smem:$0x3FB6] =	sst s0;
	s0 =	simm.s32 @!p1 $0x0  }
0x14: {  	s2 =	sld [smem:$0x3F9A];
	s0 =	simm.s32 @p1 $0x1  }
0x15: {  	[smem:$0x3FB7] =	sst s0;
	s0 =	simm.s32 @!p2 $0x0  }
0x16: {  	s3 =	sld [smem:$0x3FDB];
	s0 =	simm.s32 @p2 $0x1  }
0x17: {  	s4 =	simm.s32 $0x1BF5;
	[smem:$0x3FB9] =	sst s0  }
0x18: {  	s0 =	sld [smem:$0x3F9C];
	_ =	swait.ge [sflag:s4], $0x0  }
0x19: {  	s7 =	sld [smem:$0x3F9D]  }
0x1a: {  	s8 =	sadd.s32 $0xFFFFE003, lr  }
0x1b: {  	s9 =	sadd.s32 $0xFFFFFEF7, lr;
	s5 =	simm.s32 $0xFFFFFFFF;
	p2 =	slt.u32 s8, $0xFFFFF086  }
0x1c: {  	p1 =	slt.u32 s9, $0xF7A;
	s5 =	simm.s32 @!p2 $0x0  }
0x1d: {  	s5 =	simm.s32 @p1 $0x1;
	p0 =	seq.s32 s7, s2  }
0x1e: {  	s7 =	smul.u32 @!p0 $0xF7A, s2;
	p2 =	seq.s32 @!p0 s5, $0x0  }
0x1f: {  	s9 =	smul.u32 $0xF7A, s1;
	s8 =	simm.s32 @!p0 $0x1BF5;
	p2 =	por !p2, p0  }
0x20: {  	[sflag:s8] =	ssyncset.s32 @!p0 $0xFFFFF086;
	s6 =	sadd.s32 @!p0 s3, s7;
	s7 =	simm.s32 @!p0 $0x108  }
0x21: {  	s3 =	sadd.s32 s3, s9;
	s6 =	sadd.s32 @!p0 $0x88, s6;
	s7 =	simm.s32 @p2 $0x1082  }
0x22: {  	[simem:s7], [sflag:s8] =	dma.local @!p0 [hbm:s6], $0xF7A  }
0x23: {  	s9 =	sor.u32 $0xD0000000, s2;
	s6 =	simm.s32 $0x108;
	_ =	swait.ge @!p0 [sflag:s8], $0x0  }
0x24: {  	s3 =	sadd.s32 $0x88, s3;
	s6 =	simm.s32 @!p1 $0x1082;
	[sflag:s4] =	ssyncset.s32 $0xFFFFF086  }
0x25: {  	[simem:s6], [sflag:s4] =	dma.local [hbm:s3], $0xF7A  }
0x26: {  	[smem:$0x3F9D] =	sst s1;
	(tag) =	ssettag s2;
	_ =	strace s9  }
0x27: {  	s1 =	sld [smem:$0x3FAD]  }
0x28: {  	s2 =	sld [smem:$0x3FAE]  }
0x29: {  	s4 =	sld [smem:$0x3FB0]  }
0x2a: {  	p0 =	seq.s32 s5, $0x0;
	s5 =	sld [smem:$0x3FB1]  }
0x2b: {  	s6 =	sld [smem:$0x3FB2]  }
0x2c: {  	s7 =	sld [smem:$0x3FB3]  }
0x2d: {  	s3 =	simm.s32 $0x108;
	s8 =	sld [smem:$0x3FB4]  }
0x2e: {  	s3 =	simm.s32 @!p0 $0x1082;
	s9 =	sld [smem:$0x3FB5]  }
0x2f: {  	lr =	sadd.s32 s0, s3;
	s0 =	sld [smem:$0x3FAC]  }
0x30: {  	s3 =	sld [smem:$0x3FAF]  }
0x31: {  	[smem:$0x3FB8] =	sst s10  }
0x32: {  	s10 =	sld [smem:$0x3FB6];
	_ =	sdelay $0x3  }
0x33: {  	p0 =	seq.s32 s10, $0x1;
	s10 =	sld [smem:$0x3FB8];
	_ =	sdelay $0x3  }
0x34: {  	[smem:$0x3FB8] =	sst s10  }
0x35: {  	s10 =	sld [smem:$0x3FB7];
	_ =	sdelay $0x3  }
0x36: {  	p1 =	seq.s32 s10, $0x1;
	s10 =	sld [smem:$0x3FB8];
	_ =	sdelay $0x3  }
0x37: {  	[smem:$0x3FB8] =	sst s10  }
0x38: {  	s10 =	sld [smem:$0x3FB9]  }
0x39: {  	_ = 	snop;
	(pc) =	sbr.ind lr, $3  }
0x3a: {  	_ = 	snop  }
0x3b: {  	_ = 	snop  }
0x3c: {  	p2 =	seq.s32 s10, $0x1;
	s10 =	sld [smem:$0x3FB8]  }
0x3d: {  	_ =	shalt  }
0x3e: {  	_ =	shalt  }
0x3f: {  	_ =	shalt  }
0x40: {  	_ =	shalt  }
0x41: {  	_ =	shalt  }
0x42: {  	_ =	shalt  }
0x43: {  	_ =	shalt  }
0x44: {  	_ =	shalt  }
0x45: {  	_ =	shalt  }
0x46: {  	_ =	shalt  }
0x47: {  	_ =	shalt  }
0x48: {  	_ =	shalt  }
0x49: {  	_ =	shalt  }
0x4a: {  	_ =	shalt  }
0x4b: {  	_ =	shalt  }
0x4c: {  	_ =	shalt  }
0x4d: {  	_ =	shalt  }
0x4e: {  	_ =	shalt  }
0x4f: {  	_ =	shalt  }
0x50: {  	_ =	shalt  }
0x51: {  	_ =	shalt  }
0x52: {  	_ =	shalt  }
0x53: {  	_ =	shalt  }
0x54: {  	_ =	shalt  }
0x55: {  	_ =	shalt  }
0x56: {  	_ =	shalt  }
0x57: {  	_ =	shalt  }
0x58: {  	_ =	shalt  }
0x59: {  	_ =	shalt  }
0x5a: {  	_ =	shalt  }
0x5b: {  	_ =	shalt  }
0x5c: {  	_ =	shalt  }
0x5d: {  	_ =	shalt  }
0x5e: {  	_ =	shalt  }
0x5f: {  	_ =	shalt  }
0x60: {  	_ =	shalt  }
0x61: {  	_ =	shalt  }
0x62: {  	_ =	shalt  }
0x63: {  	_ =	shalt  }
0x64: {  	_ =	shalt  }
0x65: {  	_ =	shalt  }
0x66: {  	_ =	shalt  }
0x67: {  	_ =	shalt  }
0x68: {  	_ =	shalt  }
0x69: {  	_ =	shalt  }
0x6a: {  	_ =	shalt  }
0x6b: {  	_ =	shalt  }
0x6c: {  	_ =	shalt  }
0x6d: {  	_ =	shalt  }
0x6e: {  	_ =	shalt  }
0x6f: {  	_ =	shalt  }
0x70: {  	_ =	shalt  }
0x71: {  	_ =	shalt  }
0x72: {  	_ =	shalt  }
0x73: {  	_ =	shalt  }
0x74: {  	_ =	shalt  }
0x75: {  	_ =	shalt  }
0x76: {  	_ =	shalt  }
0x77: {  	_ =	shalt  }
0x78: {  	_ =	shalt  }
0x79: {  	_ =	shalt  }
0x7a: {  	_ =	shalt  }
0x7b: {  	_ =	shalt  }
0x7c: {  	_ =	shalt  }
0x7d: {  	_ =	shalt  }
0x7e: {  	_ =	shalt  }
0x7f: {  	_ =	shalt  }
0x80: {  	_ =	shalt  }
0x81: {  	_ =	shalt  }
0x82: {  	_ =	shalt  }
0x83: {  	_ =	shalt  }
0x84: {  	_ =	shalt  }
0x85: {  	_ =	shalt  }
0x86: {  	_ =	shalt  }
0x87: {  	_ =	shalt  }
.Lfunc_end0:
.L_simem_size_0:
called_computation_lowered:
.L_overlay_start_0:
0x88: {  	s2 =	sld [smem:$0x3FD9]  }
0x89: {  	s3 =	sld [smem:$0x3FFE];
	_ =	sdelay $0x1  }
0x8a: {  	s1 =	srdreg.scid  }
0x8b: {  	s0 =	sand.u32 $0x1, s1  }
0x8c: {  	s17 =	sshll.u32 s0, $0xA;
	s2 =	sadd.s32 s3, s2  }
0x8d: {  	s2 =	sadd.s32 s2, s17  }
0x8e: {  	[smem:$0x3FC4] =	sst s2  }
0x8f: {  	_ = 	snop  }
0x90: {  	s2 =	sld [smem:$0x3FC9]  }
0x91: {  	s18 =	sld [smem:$0x3FD0];
	(tm) =	ssettm $0x1  }
0x92: {  	s4 =	sld [smem:$0x3FFB];
	_ =	sdelay $0x3  }
0x93: {  	_ =	strace s4  }
0x94: {  	s4 =	sld [smem:$0x3FFC];
	_ =	sdelay $0x3  }
0x95: {  	_ =	strace s4  }
0x96: {  	s4 =	sld [smem:$0x3FFD];
	_ =	sdelay $0x3  }
0x97: {  	_ =	strace s4  }
0x98: {  	_ =	strace $0x8FFFFFFF  }
0x99: {  	s19 =	sld [smem:$0x3FDB];
	_ =	sdelay $0x1  }
0x9a: {  	s5 =	simm.s32 $_scs_section_size  }
0x9b: {  	s6 =	simm.s32 $_size__tile_overlayer_lowered;
	s7 =	simm.s32 $_tile_overlayer_lowered  }
0x9c: {  	s22 =	simm.s32 $0x1BFF;
	s21 =	sshll.u32 s7, $0x1;
	s4 =	sadd.s32 s5, s19  }
0x9d: {  	s8 =	simm.s32 $0x0;
	s20 =	sshll.u32 s6, $0x1;
	s6 =	sadd.s32 s21, s4  }
0x9e: {  	[timem:s8], [sflag:s22] =	dma.local [hbm:s6], s20  }
0x9f: {  	_ =	swait.ge [sflag:s22], s20  }
0xa0: {  	s5 =	ssub.s32 $0x0, s20;
	[sflag:s22] =	ssyncset.done $0x0  }
0xa1: {  	[sflag:s22] =	ssyncadd.s32 s5;
	_ =	sdelay $0x1  }
0xa2: {  	s23 =	simm.s32 $0x1B8B  }
0xa3: {  	_ =	swait.ge [sflag:s23], $0x1  }
0xa4: {  	[sflag:s23] =	ssyncset.done $0x0  }
0xa5: {  	s25 =	simm.s32 $0x1B8E;
	s24 =	sld [smem:$0x3FFE];
	[sflag:s23] =	ssyncadd.s32 $0xFFFFFFFF  }
0xa6: {  	s26 =	simm.s32 $execute0_lowered;
	[smem:$0x3FD2] =	sst s25  }
0xa7: {  	s6 =	sshll.u32 s26, $0x1;
	_ =	strace $0x80000046;
	[dreg:$0x1] =	wrdreg $0xFFFFFFFF  }
0xa8: {  	s28 =	simm.s32 $_size_execute0_lowered;
	s4 =	sadd.s32 s4, s6;
	[dreg:$0x0] =	wrdreg $0x0  }
0xa9: {  	s6 =	sshll.u32 s28, $0x1;
	[dreg:$0x2] =	wrdreg s4  }
0xaa: {  	[dreg:$0x3] =	wrdreg s6  }
0xab: {  	[dreg:$0x4] =	wrdreg $0xC0  }
0xac: {  	_ =	task [dreg:s8], $0x5FFFF  }
0xad: {  	[dreg:$0x1] =	wrdreg $0xFFFFFFFF  }
0xae: {  	[dreg:$0x0] =	wrdreg $0x60  }
0xaf: {  	[dreg:$0x2] =	wrdreg s2  }
0xb0: {  	[dreg:$0x3] =	wrdreg s24  }
0xb1: {  	[dreg:$0x4] =	wrdreg s18  }
0xb2: {  	[dreg:$0x5] =	wrdreg $0x9  }
0xb3: {  	_ =	task.clear_ibuf [dreg:s8], $0x6FFFF;
	_ =	strace $0x90000046  }
0xb4: {  	s29 =	simm.s32 $0x9;
	_ =	strace $0x80000048  }
0xb5: {  	_ =	swait.ge [sflag:s29], $0x1  }
0xb6: {  	[sflag:s29] =	ssyncadd.s32 $0xFFFFFFFF  }
0xb7: {  	_ =	strace $0x90000048  }
0xb8: {  	_ =	sfence  }
0xb9: {  	s30 =	sld [smem:$0x0];
	_ =	sdelay $0x2  }
0xba: {  	s31 =	sshll.u32 s1, $0xD;
	s1 =	sshrl.u32 s1, $0x2  }
0xbb: {  	s3 =	sand.u32 $0x4000, s31;
	s1 =	sadd.s32 s1, s30  }
0xbc: {  	s0 =	sor.u32 s3, s0;
	s1 =	sshll.u32 s1, $0x11  }
0xbd: {  	s0 =	sor.u32 s1, s0  }
0xbe: {  	s0 =	sadd.s32 $0x8F2B, s0  }
0xbf: {  	[sflag:s0] =	ssyncadd.remote.s32 $0x1  }
0xc0: {  	_ =	sfence.sel $0xFFFF  }
0xc1: {  	[dreg:$0x0] =	wrdreg $0xFFFFFFFF;
	(pc) =	sbr.abs _section_cstart, $3  }
0xc2: {  	[dreg:$0x1] =	wrdreg $0xFFFFFFFF  }
0xc3: {  	_ =	task.clear_ibuf [dreg:s8], $0x2FFFF;
	_ =	strace $0x9FFFFFFF  }
0xc4: {  	(tm) =	ssettm $0x7FFFFFFF  }
0xc5: {  	_ =	shalt  }
tec
execute0_lowered:
.L_overlay_start_1:
0x0: {  	(tag) =	ssettag $0x1  }
0x1: {  	s5 =	rddreg [dreg:$0x0]  }
0x2: {  	s4 =	rddreg [dreg:$0x1]  }
0x3: {  	s6 =	rddreg [dreg:$0x2]  }
0x4: {  	s0 =	rddreg [dreg:$0x3]  }
0x5: {  	s2 =	simm.s32 $0x0;
	s3 =	srdreg.scid;
	s1 =	stileid.u32  }
0x6: {  	s11 =	simm.s32 $0x200;
	s12 =	simm.s32 $0x400;
	s13 =	simm.s32 $0x4400  }
0x7: {  	s14 =	simm.s32 $0x8400;
	s15 =	simm.s32 $0xC400;
	s16 =	simm.s32 $0x1  }
0x8: {  	s17 =	simm.s32 $0x2;
	s18 =	simm.s32 $0x100;
	s19 =	simm.s32 $0x10400  }
0x9: {  	s20 =	simm.s32 $0x10600;
	s21 =	simm.s32 $0x0;
	[smem:$0x7FF] =	sst s2  }
0xa: {  	s7 =	sand.u32 $0x1, s3;
	s3 =	sadd.s32 $0xC00, s4;
	s8 =	sshll.u32 s1, $0xA  }
0xb: {  	s4 =	sadd.s32 $0x1F600, s4;
	s9 =	sshll.u32 s7, $0x9;
	s7 =	ssub.s32 $0x2, s7  }
0xc: {  	_ =	strace $0x80000047;
	s8 =	sor.u32 s9, s8;
	s31 =	sshrl.u32 s7, $0x1  }
0xd: {  	s10 =	sshrl.u32 s8, $0x3;
	s8 =	sshrl.u32 s8, $0x2;
	s9 =	ssub.s32 s7, s31  }
0xe: {  	v0 =	vlaneseq.u32;
	s5 =	sadd.s32 s5, s10;
	s6 =	sadd.s32 s6, s8;
	s8 =	smax.u32 s9, $0x1  }
0xf: {  	v0 =	vmul.u32 $0x80, v0;
	s9 =	simm.s32 $0x3;
	s10 =	simm.s32 $0x80;
	s7 =	sadd.s32 $0x10, s6  }
.LBB2_1:
0x10: {  	[tilespmem:s2], [sflag:$0x3] =	stream.linear.gather [hbm4b:s5+s2], $0x200, $0x38;
	[tilespmem:$0x10800] =	vst v63  }
0x11: {  	_ =	swait.ge [sflag:s9], $0x200  }
0x12: {  	[sflag:s9] =	ssyncset.done $0x0  }
0x13: {  	s22 =	simm.s32 $0x0;
	[sflag:s9] =	ssyncadd.s32 $0xFFFFFE00  }
0x14: {  	s23 =	simm.s32 $0x40;
	v1 =	vld [tilespmem:s22+$0x0]  }
.LBB2_2:
0x15: {  	p0 =	sne.s32 s23, $0x7C0  }
.Ltmp0:
0x16: {  	_ = 	snop;
	(pc) =	sbr.rel @p0 .LBB2_2-.Ltmp0, $3  }
0x17: {  	_ =	sdelay $0x1  }
0x18: {  	s24 =	sshra.s32 s23, $0x2;
	s23 =	sadd.s32 $0x40, s23;
	v2 =	vshra.s32 v1, $0x7  }
0x19: {  	v1 =	vld [tilespmem:s24+$0x0];
	[tilespmem:s22+$0x200] =	vst v2;
	s22 =	smov.u32 s24  }
0x1a: {  	_ =	sdelay $0x3  }
0x1b: {  	v1 =	vshra.s32 v1, $0x7  }
0x1c: {  	p1 =	por $0x1, $0x1;
	[tilespmem:s22+$0x200] =	vst v1  }
0x1d: {  	[tilespmem:s12], [sflag:$0x1] =	stream.indirect.gather [hbm4b:s3+s10], $0x80, s11, s10, $0xb8;
	[tilespmem:$0x10800] =	vst v63  }
0x1e: {  	s24 =	simm.s32 $0x280;
	s23 =	simm.s32 $0x0;
	s22 =	simm.s32 $0x0  }
0x1f: {  	[tilespmem:s13], [sflag:$0x1] =	stream.indirect.gather [hbm4b:s4+s10], $0x80, s11, s10, $0xb8;
	[tilespmem:$0x10800] =	vst v63  }
.LBB2_4:
0x20: {  	[tilespmem:s14], [sflag:$0x2] =	stream.indirect.gather [hbm4b:s3+s10], $0x80, s24, s10, $0xb8;
	[tilespmem:$0x10800] =	vst v63  }
0x21: {  	_ = 	snop  }
0x22: {  	[tilespmem:s15], [sflag:$0x2] =	stream.indirect.gather [hbm4b:s4+s10], $0x80, s24, s10, $0xb8;
	[tilespmem:$0x10800] =	vst v63  }
0x23: {  	_ =	swait.ge [sflag:s16], $0x4000  }
0x24: {  	[sflag:s16] =	ssyncset.done $0x0  }
0x25: {  	[sflag:s16] =	ssyncadd.s32 $0xFFFFC000  }
0x26: {  	_ =	swait.ge [sflag:s16], $0x4000  }
0x27: {  	s23 =	sshll.u32 s23, $0x2;
	[sflag:s16] =	ssyncset.done $0x0  }
0x28: {  	s23 =	sshra.s32 s23, $0x2;
	[sflag:s16] =	ssyncadd.s32 $0xFFFFC000  }
0x29: {  	v1 =	vld [tilespmem:s23+$0x0];
	_ =	sdelay $0x2  }
0x2a: {  	v2 =	vmov s22  }
0x2b: {  	v2 =	vshll.u32 v2, $0x7  }
0x2c: {  	v2 =	vor.u32 v0, v2;
	v1 =	vand.u32 $0x7F, v1  }
0x2d: {  	v1 =	vor.u32 v2, v1;
	_ =	sdelay $0x4  }
0x2e: {  	v2 =	vld.idx.msk [tilespmem:v1+s12+$0x0], $0xffff  }
0x2f: {  	v1 =	vld.idx.msk [tilespmem:v1+s13+$0x0], $0xffff;
	_ =	sdelay $0x2  }
0x30: {  	s25 =	sadd.s32 $0x10400, s23  }
0x31: {  	s24 =	sadd.s32 $0x10600, s23;
	[tilespmem:s25+$0x0] =	vst v2  }
0x32: {  	s26 =	sadd.s32 $0x10, s23;
	[tilespmem:s24+$0x0] =	vst v1  }
0x33: {  	v1 =	vld [tilespmem:s26+$0x0]  }
0x34: {  	p0 =	por p1, p1;
	s28 =	simm.s32 $0x10;
	s29 =	simm.s32 $0x20  }
.LBB2_5:
0x35: {  	p1 =	sne.s32 s29, $0x70  }
0x36: {  	v2 =	vmov s28;
	s28 =	smov.u32 s29  }
0x37: {  	v2 =	vshll.u32 v2, $0x7  }
0x38: {  	v2 =	vor.u32 v0, v2;
	v1 =	vand.u32 $0x7F, v1  }
0x39: {  	v1 =	vor.u32 v2, v1;
	_ =	sdelay $0x4  }
0x3a: {  	v2 =	vld.idx.msk [tilespmem:v1+s12+$0x0], $0xffff  }
0x3b: {  	v1 =	vld.idx.msk [tilespmem:v1+s13+$0x0], $0xffff;
	_ =	sdelay $0x3  }
.Ltmp1:
0x3c: {  	s25 =	sadd.s32 $0x10, s25;
	(pc) =	sbr.rel @p1 .LBB2_5-.Ltmp1, $4  }
0x3d: {  	s24 =	sadd.s32 $0x10, s24;
	[tilespmem:s25+$0x0] =	vst v2  }
0x3e: {  	s26 =	sadd.s32 $0x10, s26;
	[tilespmem:s24+$0x0] =	vst v1  }
0x3f: {  	v1 =	vld [tilespmem:s26+$0x0]  }
0x40: {  	s29 =	sadd.s32 $0x10, s29  }
0x41: {  	_ = 	snop  }
0x42: {  	v2 =	vmov s28  }
0x43: {  	v2 =	vshll.u32 v2, $0x7  }
0x44: {  	v2 =	vor.u32 v0, v2;
	v1 =	vand.u32 $0x7F, v1  }
0x45: {  	v1 =	vor.u32 v2, v1;
	_ =	sdelay $0x4  }
0x46: {  	v2 =	vld.idx.msk [tilespmem:v1+s12+$0x0], $0xffff  }
0x47: {  	v1 =	vld.idx.msk [tilespmem:v1+s13+$0x0], $0xffff;
	_ =	sdelay $0x2  }
0x48: {  	s25 =	sadd.s32 $0x10, s25  }
0x49: {  	s24 =	sadd.s32 $0x10, s24;
	[tilespmem:s25+$0x0] =	vst v2  }
0x4a: {  	s26 =	simm.s32 @p0 $0x400;
	s25 =	simm.s32 @p0 $0x300;
	[tilespmem:s24+$0x0] =	vst v1;
	s24 =	simm.s32 @p0 $0x80  }
0x4b: {  	[tilespmem:s26], [sflag:$0x1] =	stream.indirect.gather @p0 [hbm4b:s3+s24], $0x80, s25, s24, $0xb8;
	[tilespmem:$0x10800] =	vst v63  }
0x4c: {  	s26 =	simm.s32 @p0 $0x4400  }
0x4d: {  	[tilespmem:s26], [sflag:$0x1] =	stream.indirect.gather @p0 [hbm4b:s4+s24], $0x80, s25, s24, $0xb8;
	[tilespmem:$0x10800] =	vst v63  }
0x4e: {  	_ =	swait.ge [sflag:s17], $0x4000  }
0x4f: {  	[sflag:s17] =	ssyncset.done $0x0  }
0x50: {  	[sflag:s17] =	ssyncadd.s32 $0xFFFFC000  }
0x51: {  	_ =	swait.ge [sflag:s17], $0x4000  }
0x52: {  	[sflag:s17] =	ssyncset.done $0x0  }
0x53: {  	s30 =	sadd.s32 $0x80, s23;
	[sflag:s17] =	ssyncadd.s32 $0xFFFFC000  }
0x54: {  	v1 =	vld [tilespmem:s30+$0x0];
	_ =	sdelay $0x1  }
0x55: {  	s31 =	simm.s32 $0x0  }
0x56: {  	v2 =	vmov s31  }
0x57: {  	v2 =	vshll.u32 v2, $0x7  }
0x58: {  	v2 =	vor.u32 v0, v2;
	v1 =	vand.u32 $0x7F, v1  }
0x59: {  	v1 =	vor.u32 v2, v1;
	_ =	sdelay $0x4  }
0x5a: {  	v2 =	vld.idx.msk [tilespmem:v1+s14+$0x0], $0xffff  }
0x5b: {  	v1 =	vld.idx.msk [tilespmem:v1+s15+$0x0], $0xffff;
	_ =	sdelay $0x2  }
0x5c: {  	s24 =	sadd.s32 $0x10480, s23  }
0x5d: {  	s23 =	sadd.s32 $0x10680, s23;
	[tilespmem:s24+$0x0] =	vst v2  }
0x5e: {  	s25 =	sadd.s32 $0x10, s30;
	[tilespmem:s23+$0x0] =	vst v1  }
0x5f: {  	v1 =	vld [tilespmem:s25+$0x0]  }
0x60: {  	s28 =	simm.s32 $0x20;
	s26 =	simm.s32 $0x10  }
.LBB2_7:
0x61: {  	p1 =	sne.s32 s28, $0x70  }
0x62: {  	v2 =	vmov s26;
	s26 =	smov.u32 s28  }
0x63: {  	v2 =	vshll.u32 v2, $0x7  }
0x64: {  	v2 =	vor.u32 v0, v2;
	v1 =	vand.u32 $0x7F, v1  }
0x65: {  	v1 =	vor.u32 v2, v1;
	_ =	sdelay $0x4  }
0x66: {  	v2 =	vld.idx.msk [tilespmem:v1+s14+$0x0], $0xffff  }
0x67: {  	v1 =	vld.idx.msk [tilespmem:v1+s15+$0x0], $0xffff;
	_ =	sdelay $0x3  }
.Ltmp2:
0x68: {  	s24 =	sadd.s32 $0x10, s24;
	(pc) =	sbr.rel @p1 .LBB2_7-.Ltmp2, $4  }
0x69: {  	s23 =	sadd.s32 $0x10, s23;
	[tilespmem:s24+$0x0] =	vst v2  }
0x6a: {  	s25 =	sadd.s32 $0x10, s25;
	[tilespmem:s23+$0x0] =	vst v1  }
0x6b: {  	v1 =	vld [tilespmem:s25+$0x0]  }
0x6c: {  	s28 =	sadd.s32 $0x10, s28  }
0x6d: {  	_ = 	snop  }
0x6e: {  	v2 =	vmov s26  }
0x6f: {  	v2 =	vshll.u32 v2, $0x7  }
0x70: {  	v2 =	vor.u32 v0, v2;
	v1 =	vand.u32 $0x7F, v1  }
0x71: {  	v1 =	vor.u32 v2, v1;
	_ =	sdelay $0x4  }
0x72: {  	v2 =	vld.idx.msk [tilespmem:v1+s14+$0x0], $0xffff  }
0x73: {  	v1 =	vld.idx.msk [tilespmem:v1+s15+$0x0], $0xffff  }
.Ltmp3:
0x74: {  	_ = 	snop;
	(pc) =	sbr.rel @p0 .LBB2_4-.Ltmp3, $4  }
0x75: {  	_ = 	snop  }
0x76: {  	s24 =	sadd.s32 $0x10, s24  }
0x77: {  	s23 =	sadd.s32 $0x10, s23;
	[tilespmem:s24+$0x0] =	vst v2  }
0x78: {  	p1 =	por $0x0, $0x0;
	s24 =	simm.s32 $0x380;
	[tilespmem:s23+$0x0] =	vst v1;
	s23 =	simm.s32 $0x100  }
0x79: {  	[hbm4b:s6+s10] =	stream.strided.scatter [tilespmem:s19], [sflag:$0x3], $0x200, s18, s10, $0x38;
	[tilespmem:$0x10800] =	vst v63  }
0x7a: {  	s21 =	sadd.s32 $0x1, s21;
	_ =	swait.ge [sflag:s9], $0x200  }
0x7b: {  	p0 =	sne.s32 s21, s8;
	[sflag:s9] =	ssyncset.done $0x0  }
.Ltmp4:
0x7c: {  	[sflag:s9] =	ssyncadd.s32 $0xFFFFFE00;
	(pc) =	sbr.rel @p0 .LBB2_1-.Ltmp4, $4  }
0x7d: {  	[hbm4b:s7+s10] =	stream.strided.scatter [tilespmem:s20], [sflag:$0x3], $0x200, s18, s10, $0x38;
	[tilespmem:$0x10800] =	vst v63  }
0x7e: {  	_ =	swait.ge [sflag:s9], $0x200  }
0x7f: {  	[sflag:s9] =	ssyncset.done $0x0  }
0x80: {  	[sflag:s9] =	ssyncadd.s32 $0xFFFFFE00  }
0x81: {  	_ =	sfence.sel $0x180000  }
0x82: {  	[bflag:$0x0] =	sbarrier.arrive $0xFFFF  }
0x83: {  	p0 =	sne.s32 s1, $0x0;
	_ =	strace $0x90000047  }
0x84: {  	s0 =	sadd.s32 @!p0 $0x100000, s0;
	[bflag:$0x2] =	sbarrier.arrive $0xFFFF  }
0x85: {  	[sflag:s0] =	ssyncadd.tile.s32 @!p0 $0x1;
	_ =	shalt  }
.Lfunc_end2:
_tile_overlayer_lowered:
.L_overlay_start_2:
0x86: {  	(tag) =	ssettag $0x2  }
0x87: {  	s0 =	rddreg [dreg:$0x0];
	s2 =	stileid.u32  }
0x88: {  	s1 =	rddreg [dreg:$0x1];
	p0 =	sne.s32 s2, $0x0  }
0x89: {  	s3 =	rddreg [dreg:$0x2];
	[bflag:$0x3] =	sbarrier.arrive $0xFFFF;
	s2 =	simm.s32 @!p0 $0x1C03  }
0x8a: {  	[timem:s3], [sflag:s2] =	dma.local @!p0 [hbm:s0], s1  }
0x8b: {  	s0 =	simm.s32 @!p0 $0x3  }
0x8c: {  	_ =	swait.ge @!p0 [sflag:s0], s1  }
0x8d: {  	s1 =	ssub.s32 @!p0 $0x0, s1;
	[sflag:s0] =	ssyncset.done @!p0 $0x0  }
0x8e: {  	[sflag:s0] =	ssyncadd.s32 @!p0 s1  }
0x8f: {  	[bflag:$0x3] =	sbarrier.arrive $0xFFFF  }
0x90: {  	_ =	shalt  }

</sc_bundles>
